<compile_context>
chip_gen: v7x
topology: tpu7x:2x2x1
jax: 0.10.2.dev20260603
libtpu: 0.0.44.dev20260713+nightly
codegen_flags: <defaults>
</compile_context>

<pallas_src>
import functools

import jax
import jax.numpy as jnp
from jax import lax
from jax.experimental import pallas as pl
from jax.experimental.pallas import tpu as pltpu
from jax.experimental.pallas import tpu_sc as plsc

HIDDEN = 128
EDGE_MAX = 2048
N_EDGES = 320000
NUM_WORKERS = 32
CHUNK = N_EDGES // 16
LANES = 16


def _mask_body(src_ref, tgt_ref, out_ref, idx_v, mask_v):
    i32 = jnp.int32
    c = lax.axis_index("c")
    s = lax.axis_index("s")
    wid = s * i32(2) + c

    zeros16 = jnp.zeros((LANES,), jnp.float32)

    @plsc.parallel_loop(i32(0), i32(EDGE_MAX), step=i32(LANES), unroll=4)
    def _(i):
        mask_v[pl.ds(i, LANES)] = zeros16

    base = (wid % i32(16)) * i32(CHUNK)

    @pl.when(wid < i32(16))
    def _():
        pltpu.sync_copy(src_ref.at[pl.ds(base, CHUNK)], idx_v)

    @pl.when(wid >= i32(16))
    def _():
        pltpu.sync_copy(tgt_ref.at[pl.ds(base, CHUNK)], idx_v)

    ones16 = jnp.ones((LANES,), jnp.float32)

    @plsc.parallel_loop(i32(0), i32(CHUNK), step=i32(LANES), unroll=8)
    def _(i):
        idx = idx_v[pl.ds(i, LANES)]
        plsc.store_scatter(mask_v, [idx], ones16)

    pltpu.sync_copy(mask_v, out_ref.at[wid])


@functools.cache
def _mask_kernel():
    return pl.kernel(
        _mask_body,
        out_type=jax.ShapeDtypeStruct((NUM_WORKERS, EDGE_MAX), jnp.float32),
        mesh=plsc.VectorSubcoreMesh(
            core_axis_name="c", subcore_axis_name="s",
            num_cores=2, num_subcores=16,
        ),
        scratch_types=[
            pltpu.VMEM((CHUNK,), jnp.int32),
            pltpu.VMEM((EDGE_MAX,), jnp.float32),
        ],
        compiler_params=pltpu.CompilerParams(needs_layout_passes=False),
    )


def _vproj_body(flat_ref, wv_ref, bv_ref, out_ref):
    f32 = jnp.float32
    dn_nt = (((1,), (1,)), ((), ()))
    v = lax.dot_general(flat_ref[0], wv_ref[...], dn_nt,
                        preferred_element_type=f32,
                        precision=lax.Precision.DEFAULT) + bv_ref[...]
    out_ref[0, :, :] = v


def _zero2(g):
    return (jnp.int32(0),) * 2


def _zero3(g):
    return (jnp.int32(0),) * 3


def _vproj_call(hidden, Wv, bv, interpret=False):
    return pl.pallas_call(
        _vproj_body,
        out_shape=jax.ShapeDtypeStruct(hidden.shape, jnp.float32),
        in_specs=[pl.BlockSpec(memory_space=pltpu.VMEM)] * 3,
        out_specs=pl.BlockSpec(memory_space=pltpu.VMEM),
        compiler_params=pltpu.CompilerParams(
            vmem_limit_bytes=120 * 1024 * 1024),
        interpret=interpret,
    )(hidden, Wv, bv)


def _head_body(vbuf_ref, head_ref, wq_ref, bq_ref, wk_ref, bk_ref, wv_ref,
               bv_ref, masks_ref, out_ref):
    del vbuf_ref
    f32 = jnp.float32
    hi = lax.Precision.DEFAULT
    dn_nt = (((1,), (1,)), ((), ()))

    head = head_ref[0]
    q = lax.dot_general(head, wq_ref[...], dn_nt,
                        preferred_element_type=f32, precision=hi) + bq_ref[...]
    k = lax.dot_general(head, wk_ref[...], dn_nt,
                        preferred_element_type=f32, precision=hi) + bk_ref[...]
    v = lax.dot_general(head, wv_ref[...], dn_nt,
                        preferred_element_type=f32, precision=hi) + bv_ref[...]

    m = masks_ref[...]
    ones_col = jnp.ones((16, 1), f32)
    dn_merge = (((0,), (0,)), ((), ()))
    src_col = lax.dot_general(m[0:16], ones_col, dn_merge,
                              preferred_element_type=f32, precision=hi)
    tgt_col = lax.dot_general(m[16:32], ones_col, dn_merge,
                              preferred_element_type=f32, precision=hi)
    half = jnp.float32(0.5)
    src_on = src_col > half
    tgt_on = tgt_col > half

    logits = lax.dot_general(q, k, dn_nt,
                             preferred_element_type=f32,
                             precision=hi) * jnp.float32(0.25)
    e = jnp.where(tgt_on, jnp.exp(logits), jnp.float32(0.0))
    denom = jnp.sum(e, axis=0, keepdims=True)
    p = e * (jnp.float32(1.0) / denom)

    sv = jnp.where(src_on, v, jnp.float32(0.0))
    upd = lax.dot_general(p, sv, (((1,), (0,)), ((), ())),
                          preferred_element_type=f32, precision=hi)
    new_head = jnp.where(tgt_on, upd, v)
    out_ref[0, :, :] = new_head


def _attn_call(hidden, Wq, bq, Wk, bk, Wv, bv, masks, interpret=False):
    vbuf = _vproj_call(hidden, Wv, bv, interpret=interpret)
    head_blk = pl.BlockSpec((1, EDGE_MAX, HIDDEN), _zero3,
                            memory_space=pltpu.VMEM)
    return pl.pallas_call(
        _head_body,
        grid=(1,),
        out_shape=jax.ShapeDtypeStruct(hidden.shape, jnp.float32),
        in_specs=[pl.BlockSpec(memory_space=pl.ANY), head_blk]
        + [pl.BlockSpec(a.shape, _zero2, memory_space=pltpu.VMEM)
           for a in (Wq, bq, Wk, bk, Wv, bv, masks)],
        out_specs=pl.BlockSpec((1, EDGE_MAX, HIDDEN), _zero3,
                               memory_space=pltpu.VMEM),
        input_output_aliases={0: 0},
        compiler_params=pltpu.CompilerParams(
            vmem_limit_bytes=120 * 1024 * 1024),
        interpret=interpret,
    )(vbuf, hidden, Wq, bq, Wk, bk, Wv, bv, masks)


def kernel(hidden_states, edges_src, edges_tgt, Wq, bq, Wk, bk, Wv, bv):
    b, n, h = hidden_states.shape
    masks = _mask_kernel()(edges_src.astype(jnp.int32),
                           edges_tgt.astype(jnp.int32))
    return _attn_call(
        hidden_states,
        Wq, bq.reshape(1, h),
        Wk, bk.reshape(1, h),
        Wv, bv.reshape(1, h),
        masks,
    )

# --- scband reference (transcript-rebuilt; emitter-appended) ---
"""Pipeline reference for scband-dgraph-attention-79096117723502 (READ-ONLY COPY).

The authoritative reference and input builder live on the scoring server;
editing this copy changes nothing except your own understanding.
"""

import math
import jax, jax.numpy as jnp
import numpy as np

jax.config.update("jax_enable_x64", True)

HIDDEN = 128
HEADS = 8
HEAD_SIZE = HIDDEN // HEADS
N_NODES = 10000
N_EDGES = 320000
EDGE_MAX = 2048


def setup_inputs(seed: int = 0) -> dict:
    key = jax.random.key(seed)
    ks = jax.random.split(key, 12)
    hidden_states = jax.random.normal(ks[0], (1, N_NODES, HIDDEN), dtype=jnp.float32)
    edges_src = jax.random.randint(ks[1], (N_EDGES,), 0, EDGE_MAX, dtype=jnp.int64)
    edges_tgt = jax.random.randint(ks[2], (N_EDGES,), 0, EDGE_MAX, dtype=jnp.int64)
    Wq = 0.02 * jax.random.normal(ks[3], (HIDDEN, HIDDEN), dtype=jnp.float32)
    bq = jnp.zeros((HIDDEN,), dtype=jnp.float32)
    Wk = 0.02 * jax.random.normal(ks[4], (HIDDEN, HIDDEN), dtype=jnp.float32)
    bk = jnp.zeros((HIDDEN,), dtype=jnp.float32)
    Wv = 0.02 * jax.random.normal(ks[5], (HIDDEN, HIDDEN), dtype=jnp.float32)
    bv = jnp.zeros((HIDDEN,), dtype=jnp.float32)
    return {
        "hidden_states": hidden_states,
        "edges_src": edges_src,
        "edges_tgt": edges_tgt,
        "Wq": Wq, "bq": bq,
        "Wk": Wk, "bk": bk,
        "Wv": Wv, "bv": bv,
    }


def reference(hidden_states, edges_src, edges_tgt, Wq, bq, Wk, bk, Wv, bv):
    batch_size, seq_len, hidden = hidden_states.shape
    flat = hidden_states.reshape(batch_size * seq_len, hidden)
    # nn.Linear: x @ W.T + b
    query_layer = flat @ Wq.T + bq
    key_layer = flat @ Wk.T + bk
    value_layer = flat @ Wv.T + bv
    src_mask = jnp.zeros((EDGE_MAX,), dtype=bool).at[edges_src].set(True)
    tgt_mask = jnp.zeros((EDGE_MAX,), dtype=bool).at[edges_tgt].set(True)
    src_key_tensor = key_layer[:EDGE_MAX]
    tgt_query_tensor = query_layer[:EDGE_MAX]
    logits = (tgt_query_tensor @ src_key_tensor.T) / math.sqrt(HEAD_SIZE)
    logits = jnp.where(tgt_mask[:, None], logits, -jnp.inf)
    attention_scores = jax.nn.softmax(logits, axis=0)
    src_values = jnp.where(src_mask[:, None], value_layer[:EDGE_MAX], 0.0)
    updated = attention_scores @ src_values
    new_head = jnp.where(tgt_mask[:, None], updated, value_layer[:EDGE_MAX])
    value_layer = value_layer.at[:EDGE_MAX].set(new_head)
    return value_layer.reshape(hidden_states.shape)

if __name__ == "__main__":
    import jax
    _d = setup_inputs()
    print(jax.jit(kernel)(*tuple(_d.values())))

</pallas_src>

<mosaic_0001>
#map = affine_map<(d0, d1) -> (0)>
#map1 = affine_map<(d0, d1) -> (0, 0)>
module attributes {stable_mosaic.version = 14 : i64} {
  func.func @_mask_body(%arg0: i32, %arg1: i32, %arg2: memref<320000xi32, #tpu.memory_space<hbm>>, %arg3: memref<320000xi32, #tpu.memory_space<hbm>>, %arg4: memref<32x2048xf32, #tpu.memory_space<hbm>>, %arg5: memref<20000xi32, #tpu.memory_space<vmem>>, %arg6: memref<2048xf32, #tpu.memory_space<vmem>>) attributes {dimension_semantics = [#tpu.dimension_semantics<core_parallel>, #tpu.dimension_semantics<subcore_parallel>], iteration_bounds = array<i64: 2, 16>, scalar_prefetch = 0 : i64, scratch_operands = 2 : i64, tpu.core_type = #tpu.core_type<sc_vector_subcore>, window_params = [{transform_indices = #map}, {transform_indices = #map}, {transform_indices = #map1}]} {
    %mul3A = arith.constant 2 : i32
    %mul3A_0 = arith.muli %arg1, %mul3A : i32
    %add3A = arith.addi %mul3A_0, %arg0 : i32
    %broadcast_in_dim3A = arith.constant 0.000000e+00 : f32
    %broadcast_in_dim3A_1 = vector.broadcast %broadcast_in_dim3A : f32 to vector<16xf32>
    %parallel_loop3A = arith.constant 0 : i32
    %parallel_loop3A_2 = arith.constant 2048 : i32
    %parallel_loop3A_3 = arith.constant 16 : i32
    scf.for %parallel_loop3A_27 = %parallel_loop3A to %parallel_loop3A_2 step %parallel_loop3A_3  : i32 {
      %parallel_loop3A_28 = arith.index_cast %parallel_loop3A_27 : i32 to index
      %parallel_loop3A_29 = tpu.vector_load %arg6[%parallel_loop3A_28] {strides = array<i32>} : memref<2048xf32, #tpu.memory_space<vmem>>, vector<16xf32>,
      tpu.vector_store %arg6[%parallel_loop3A_28], %broadcast_in_dim3A_1 {strides = array<i32>} : memref<2048xf32, #tpu.memory_space<vmem>>, vector<16xf32>,
    } {sc.loop_unroll_factor = 4 : i64, sc.parallel_access}
    %jit3A = arith.constant 16 : i32
    %eq3A = arith.constant 0 : i32
    %eq3A_4 = arith.cmpi eq, %jit3A, %eq3A : i32
    %jit3A_5 = arith.constant 1 : i32
    %select_n3A = arith.select %eq3A_4, %jit3A_5, %jit3A : i32
    %rem3A = arith.remsi %add3A, %select_n3A : i32
    %ne3A = arith.constant 0 : i32
    %ne3A_6 = arith.cmpi ne, %rem3A, %ne3A : i32
    %lt3A = arith.constant 0 : i32
    %lt3A_7 = arith.cmpi slt, %rem3A, %lt3A : i32
    %lt3A_8 = arith.constant 0 : i32
    %lt3A_9 = arith.cmpi slt, %select_n3A, %lt3A_8 : i32
    %ne3A_10 = arith.xori %lt3A_7, %lt3A_9 : i1
    %and3A = arith.andi %ne3A_10, %ne3A_6 : i1
    %add3A_11 = arith.addi %rem3A, %select_n3A : i32
    %select_n3A_12 = arith.select %and3A, %add3A_11, %rem3A : i32
    %mul3A_13 = arith.constant 20000 : i32
    %mul3A_14 = arith.muli %select_n3A_12, %mul3A_13 : i32
    %lt3A_15 = arith.constant 16 : i32
    %lt3A_16 = arith.cmpi slt, %add3A, %lt3A_15 : i32
    %convert_element_type3A = arith.extui %lt3A_16 : i1 to i32
    %cond3A = arith.constant 0 : i32
    %cond3A_17 = arith.cmpi ne, %convert_element_type3A, %cond3A : i32
    scf.if %cond3A_17 {
      "tpu.region"() ({
        %run_scoped3A = tpu.sem_alloc : memref<!tpu.dma_semaphore, #tpu.memory_space<semaphore_mem>>
        %dma_start3A = tpu.memref_slice %arg2[%mul3A_14] : memref<320000xi32, #tpu.memory_space<hbm>> -> memref<20000xi32, #tpu.memory_space<hbm>>
        %dma_start3A_27 = tpu.memref_slice %arg2[%mul3A_14] : memref<320000xi32, #tpu.memory_space<hbm>> -> memref<20000xi32, #tpu.memory_space<hbm>>
        tpu.enqueue_dma source(%dma_start3A_27 : memref<20000xi32, #tpu.memory_space<hbm>>) target(%arg5 : memref<20000xi32, #tpu.memory_space<vmem>>) target_semaphore(%run_scoped3A : memref<!tpu.dma_semaphore, #tpu.memory_space<semaphore_mem>>)
        %dma_wait3A = tpu.memref_slice %arg2[%mul3A_14] : memref<320000xi32, #tpu.memory_space<hbm>> -> memref<20000xi32, #tpu.memory_space<hbm>>
        %dma_wait3A_28 = tpu.memref_slice %arg2[%mul3A_14] : memref<320000xi32, #tpu.memory_space<hbm>> -> memref<20000xi32, #tpu.memory_space<hbm>>
        tpu.wait_dma2 semaphore(%run_scoped3A : memref<!tpu.dma_semaphore, #tpu.memory_space<semaphore_mem>>) src(%dma_wait3A_28 : memref<20000xi32, #tpu.memory_space<hbm>>) dst(%arg5 : memref<20000xi32, #tpu.memory_space<vmem>>)
        tpu.yield
      }) : () -> ()
    } else {
    }
    %ge3A = arith.constant 16 : i32
    %ge3A_18 = arith.cmpi sge, %add3A, %ge3A : i32
    %convert_element_type3A_19 = arith.extui %ge3A_18 : i1 to i32
    %cond3A_20 = arith.constant 0 : i32
    %cond3A_21 = arith.cmpi ne, %convert_element_type3A_19, %cond3A_20 : i32
    scf.if %cond3A_21 {
      "tpu.region"() ({
        %run_scoped3A = tpu.sem_alloc : memref<!tpu.dma_semaphore, #tpu.memory_space<semaphore_mem>>
        %dma_start3A = tpu.memref_slice %arg3[%mul3A_14] : memref<320000xi32, #tpu.memory_space<hbm>> -> memref<20000xi32, #tpu.memory_space<hbm>>
        %dma_start3A_27 = tpu.memref_slice %arg3[%mul3A_14] : memref<320000xi32, #tpu.memory_space<hbm>> -> memref<20000xi32, #tpu.memory_space<hbm>>
        tpu.enqueue_dma source(%dma_start3A_27 : memref<20000xi32, #tpu.memory_space<hbm>>) target(%arg5 : memref<20000xi32, #tpu.memory_space<vmem>>) target_semaphore(%run_scoped3A : memref<!tpu.dma_semaphore, #tpu.memory_space<semaphore_mem>>)
        %dma_wait3A = tpu.memref_slice %arg3[%mul3A_14] : memref<320000xi32, #tpu.memory_space<hbm>> -> memref<20000xi32, #tpu.memory_space<hbm>>
        %dma_wait3A_28 = tpu.memref_slice %arg3[%mul3A_14] : memref<320000xi32, #tpu.memory_space<hbm>> -> memref<20000xi32, #tpu.memory_space<hbm>>
        tpu.wait_dma2 semaphore(%run_scoped3A : memref<!tpu.dma_semaphore, #tpu.memory_space<semaphore_mem>>) src(%dma_wait3A_28 : memref<20000xi32, #tpu.memory_space<hbm>>) dst(%arg5 : memref<20000xi32, #tpu.memory_space<vmem>>)
        tpu.yield
      }) : () -> ()
    } else {
    }
    %broadcast_in_dim3A_22 = arith.constant 1.000000e+00 : f32
    %broadcast_in_dim3A_23 = vector.broadcast %broadcast_in_dim3A_22 : f32 to vector<16xf32>
    %parallel_loop3A_24 = arith.constant 0 : i32
    %parallel_loop3A_25 = arith.constant 20000 : i32
    %parallel_loop3A_26 = arith.constant 16 : i32
    scf.for %parallel_loop3A_27 = %parallel_loop3A_24 to %parallel_loop3A_25 step %parallel_loop3A_26  : i32 {
      %parallel_loop3A_28 = arith.index_cast %parallel_loop3A_27 : i32 to index
      %parallel_loop3A_29 = tpu.vector_load %arg5[%parallel_loop3A_28] {strides = array<i32>} : memref<20000xi32, #tpu.memory_space<vmem>>, vector<16xi32>,
      tpu.vector_store_idx %arg6[%parallel_loop3A_29], %broadcast_in_dim3A_23 : memref<2048xf32, #tpu.memory_space<vmem>>[vector<16xi32>], vector<16xf32>,
    } {sc.loop_unroll_factor = 8 : i64, sc.parallel_access}
    "tpu.region"() ({
      %run_scoped3A = tpu.sem_alloc : memref<!tpu.dma_semaphore, #tpu.memory_space<semaphore_mem>>
      %dma_start3A = arith.constant 0 : i32
      %dma_start3A_27 = tpu.memref_slice %arg4[%add3A, %dma_start3A] : memref<32x2048xf32, #tpu.memory_space<hbm>> -> memref<1x2048xf32, #tpu.memory_space<hbm>>
      %dma_start3A_28 = tpu.memref_squeeze %dma_start3A_27 : memref<1x2048xf32, #tpu.memory_space<hbm>> -> memref<2048xf32, #tpu.memory_space<hbm>>
      %dma_start3A_29 = arith.constant 0 : i32
      %dma_start3A_30 = tpu.memref_slice %arg4[%add3A, %dma_start3A_29] : memref<32x2048xf32, #tpu.memory_space<hbm>> -> memref<1x2048xf32, #tpu.memory_space<hbm>>
      %dma_start3A_31 = tpu.memref_squeeze %dma_start3A_30 : memref<1x2048xf32, #tpu.memory_space<hbm>> -> memref<2048xf32, #tpu.memory_space<hbm>>
      tpu.enqueue_dma source(%arg6 : memref<2048xf32, #tpu.memory_space<vmem>>) target(%dma_start3A_31 : memref<2048xf32, #tpu.memory_space<hbm>>) target_semaphore(%run_scoped3A : memref<!tpu.dma_semaphore, #tpu.memory_space<semaphore_mem>>)
      %dma_wait3A = arith.constant 0 : i32
      %dma_wait3A_32 = tpu.memref_slice %arg4[%add3A, %dma_wait3A] : memref<32x2048xf32, #tpu.memory_space<hbm>> -> memref<1x2048xf32, #tpu.memory_space<hbm>>
      %dma_wait3A_33 = tpu.memref_squeeze %dma_wait3A_32 : memref<1x2048xf32, #tpu.memory_space<hbm>> -> memref<2048xf32, #tpu.memory_space<hbm>>
      %dma_wait3A_34 = arith.constant 0 : i32
      %dma_wait3A_35 = tpu.memref_slice %arg4[%add3A, %dma_wait3A_34] : memref<32x2048xf32, #tpu.memory_space<hbm>> -> memref<1x2048xf32, #tpu.memory_space<hbm>>
      %dma_wait3A_36 = tpu.memref_squeeze %dma_wait3A_35 : memref<1x2048xf32, #tpu.memory_space<hbm>> -> memref<2048xf32, #tpu.memory_space<hbm>>
      tpu.wait_dma2 semaphore(%run_scoped3A : memref<!tpu.dma_semaphore, #tpu.memory_space<semaphore_mem>>) src(%arg6 : memref<2048xf32, #tpu.memory_space<vmem>>) dst(%dma_wait3A_36 : memref<2048xf32, #tpu.memory_space<hbm>>)
      tpu.yield
    }) : () -> ()
    return
  }
}

module attributes {stable_mosaic.version = 14 : i64} {
  func.func @_head_body(%arg0: i32, %arg1: memref<1x10000x128xf32, #tpu.memory_space<any>>, %arg2: memref<1x2048x128xf32, #tpu.memory_space<vmem>>, %arg3: memref<128x128xf32, #tpu.memory_space<vmem>>, %arg4: memref<1x128xf32, #tpu.memory_space<vmem>>, %arg5: memref<128x128xf32, #tpu.memory_space<vmem>>, %arg6: memref<1x128xf32, #tpu.memory_space<vmem>>, %arg7: memref<128x128xf32, #tpu.memory_space<vmem>>, %arg8: memref<1x128xf32, #tpu.memory_space<vmem>>, %arg9: memref<32x2048xf32, #tpu.memory_space<vmem>>, %arg10: memref<1x2048x128xf32, #tpu.memory_space<vmem>>) attributes {dimension_semantics = [#tpu.dimension_semantics<arbitrary>], iteration_bounds = array<i64: 1>, scalar_prefetch = 0 : i64, scratch_operands = 0 : i64, tpu.core_type = #tpu.core_type<tc>, window_params = [{}, {transform_indices = @transform_1, window_bounds = array<i64: 1, 2048, 128>}, {pipeline_mode = #tpu.pipeline_mode<synchronous>, transform_indices = @transform_2, window_bounds = array<i64: 128, 128>}, {pipeline_mode = #tpu.pipeline_mode<synchronous>, transform_indices = @transform_3, window_bounds = array<i64: 1, 128>}, {pipeline_mode = #tpu.pipeline_mode<synchronous>, transform_indices = @transform_4, window_bounds = array<i64: 128, 128>}, {pipeline_mode = #tpu.pipeline_mode<synchronous>, transform_indices = @transform_5, window_bounds = array<i64: 1, 128>}, {pipeline_mode = #tpu.pipeline_mode<synchronous>, transform_indices = @transform_6, window_bounds = array<i64: 128, 128>}, {pipeline_mode = #tpu.pipeline_mode<synchronous>, transform_indices = @transform_7, window_bounds = array<i64: 1, 128>}, {pipeline_mode = #tpu.pipeline_mode<synchronous>, transform_indices = @transform_8, window_bounds = array<i64: 32, 2048>}, {transform_indices = @transform_9, window_bounds = array<i64: 1, 2048, 128>}]} {
    %get3A = arith.constant 0 : index
    %get3A_0 = arith.constant 0 : index
    %get3A_1 = arith.constant 0 : index
    %get3A_2 = vector.load %arg2[%get3A, %get3A_0, %get3A_1] : memref<1x2048x128xf32, #tpu.memory_space<vmem>>, vector<1x2048x128xf32>
    %get3A_3 = vector.shape_cast %get3A_2 : vector<1x2048x128xf32> to vector<2048x128xf32>
    %get3A_4 = arith.constant 0 : index
    %get3A_5 = arith.constant 0 : index
    %get3A_6 = vector.load %arg3[%get3A_4, %get3A_5] : memref<128x128xf32, #tpu.memory_space<vmem>>, vector<128x128xf32>
    %dot_general3A = arith.constant dense<0.000000e+00> : vector<2048x128xf32>
    %dot_general3A_7 = tpu.matmul %get3A_3, %get3A_6, %dot_general3A {dimension_numbers = #tpu.dot_dimension_numbers<[1], [1], [0], [0], [0, 0, 1, 0], [], []>, transpose_lhs_hint = false} : vector<2048x128xf32>, vector<128x128xf32>, vector<2048x128xf32> -> vector<2048x128xf32>
    %get3A_8 = arith.constant 0 : index
    %get3A_9 = arith.constant 0 : index
    %get3A_10 = vector.load %arg4[%get3A_8, %get3A_9] : memref<1x128xf32, #tpu.memory_space<vmem>>, vector<1x128xf32>
    %add3A = vector.broadcast %get3A_10 : vector<1x128xf32> to vector<2048x128xf32>
    %add3A_11 = arith.addf %dot_general3A_7, %add3A : vector<2048x128xf32>
    %get3A_12 = arith.constant 0 : index
    %get3A_13 = arith.constant 0 : index
    %get3A_14 = vector.load %arg5[%get3A_12, %get3A_13] : memref<128x128xf32, #tpu.memory_space<vmem>>, vector<128x128xf32>
    %dot_general3A_15 = arith.constant dense<0.000000e+00> : vector<2048x128xf32>
    %dot_general3A_16 = tpu.matmul %get3A_3, %get3A_14, %dot_general3A_15 {dimension_numbers = #tpu.dot_dimension_numbers<[1], [1], [0], [0], [0, 0, 1, 0], [], []>, transpose_lhs_hint = false} : vector<2048x128xf32>, vector<128x128xf32>, vector<2048x128xf32> -> vector<2048x128xf32>
    %get3A_17 = arith.constant 0 : index
    %get3A_18 = arith.constant 0 : index
    %get3A_19 = vector.load %arg6[%get3A_17, %get3A_18] : memref<1x128xf32, #tpu.memory_space<vmem>>, vector<1x128xf32>
    %add3A_20 = vector.broadcast %get3A_19 : vector<1x128xf32> to vector<2048x128xf32>
    %add3A_21 = arith.addf %dot_general3A_16, %add3A_20 : vector<2048x128xf32>
    %get3A_22 = arith.constant 0 : index
    %get3A_23 = arith.constant 0 : index
    %get3A_24 = vector.load %arg7[%get3A_22, %get3A_23] : memref<128x128xf32, #tpu.memory_space<vmem>>, vector<128x128xf32>
    %dot_general3A_25 = arith.constant dense<0.000000e+00> : vector<2048x128xf32>
    %dot_general3A_26 = tpu.matmul %get3A_3, %get3A_24, %dot_general3A_25 {dimension_numbers = #tpu.dot_dimension_numbers<[1], [1], [0], [0], [0, 0, 1, 0], [], []>, transpose_lhs_hint = false} : vector<2048x128xf32>, vector<128x128xf32>, vector<2048x128xf32> -> vector<2048x128xf32>
    %get3A_27 = arith.constant 0 : index
    %get3A_28 = arith.constant 0 : index
    %get3A_29 = vector.load %arg8[%get3A_27, %get3A_28] : memref<1x128xf32, #tpu.memory_space<vmem>>, vector<1x128xf32>
    %add3A_30 = vector.broadcast %get3A_29 : vector<1x128xf32> to vector<2048x128xf32>
    %add3A_31 = arith.addf %dot_general3A_26, %add3A_30 : vector<2048x128xf32>
    %get3A_32 = arith.constant 0 : index
    %get3A_33 = arith.constant 0 : index
    %get3A_34 = vector.load %arg9[%get3A_32, %get3A_33] : memref<32x2048xf32, #tpu.memory_space<vmem>>, vector<32x2048xf32>
    %broadcast_in_dim3A = arith.constant 1.000000e+00 : f32
    %broadcast_in_dim3A_35 = vector.broadcast %broadcast_in_dim3A : f32 to vector<16x1xf32>
    %slice3A = vector.extract_strided_slice %get3A_34 {offsets = [0, 0], sizes = [16, 2048], strides = [1, 1]} : vector<32x2048xf32> to vector<16x2048xf32>
    %dot_general3A_36 = arith.constant dense<0.000000e+00> : vector<2048x1xf32>
    %dot_general3A_37 = tpu.matmul %slice3A, %broadcast_in_dim3A_35, %dot_general3A_36 {dimension_numbers = #tpu.dot_dimension_numbers<[0], [0], [1], [1], [0, 1, 1, 1], [], []>, transpose_lhs_hint = false} : vector<16x2048xf32>, vector<16x1xf32>, vector<2048x1xf32> -> vector<2048x1xf32>
    %slice3A_38 = vector.extract_strided_slice %get3A_34 {offsets = [16, 0], sizes = [16, 2048], strides = [1, 1]} : vector<32x2048xf32> to vector<16x2048xf32>
    %dot_general3A_39 = arith.constant dense<0.000000e+00> : vector<2048x1xf32>
    %dot_general3A_40 = tpu.matmul %slice3A_38, %broadcast_in_dim3A_35, %dot_general3A_39 {dimension_numbers = #tpu.dot_dimension_numbers<[0], [0], [1], [1], [0, 1, 1, 1], [], []>, transpose_lhs_hint = false} : vector<16x2048xf32>, vector<16x1xf32>, vector<2048x1xf32> -> vector<2048x1xf32>
    %gt3A = arith.constant 5.000000e-01 : f32
    %gt3A_41 = vector.broadcast %gt3A : f32 to vector<2048x1xf32>
    %gt3A_42 = arith.cmpf ogt, %dot_general3A_37, %gt3A_41 : vector<2048x1xf32>
    %gt3A_43 = arith.constant 5.000000e-01 : f32
    %gt3A_44 = vector.broadcast %gt3A_43 : f32 to vector<2048x1xf32>
    %gt3A_45 = arith.cmpf ogt, %dot_general3A_40, %gt3A_44 : vector<2048x1xf32>
    %dot_general3A_46 = arith.constant dense<0.000000e+00> : vector<2048x2048xf32>
    %dot_general3A_47 = tpu.matmul %add3A_11, %add3A_21, %dot_general3A_46 {dimension_numbers = #tpu.dot_dimension_numbers<[1], [1], [0], [0], [0, 0, 1, 0], [], []>, transpose_lhs_hint = false} : vector<2048x128xf32>, vector<2048x128xf32>, vector<2048x2048xf32> -> vector<2048x2048xf32>
    %mul3A = arith.constant 2.500000e-01 : f32
    %mul3A_48 = vector.broadcast %mul3A : f32 to vector<2048x2048xf32>
    %mul3A_49 = arith.mulf %dot_general3A_47, %mul3A_48 : vector<2048x2048xf32>
    %exp3A = math.exp %mul3A_49 : vector<2048x2048xf32>
    %jit3A = arith.constant 0.000000e+00 : f32
    %broadcast_in_dim3A_50 = vector.shape_cast %gt3A_45 : vector<2048x1xi1> to vector<2048x1xi1>
    %broadcast_in_dim3A_51 = vector.broadcast %broadcast_in_dim3A_50 : vector<2048x1xi1> to vector<2048x2048xi1>
    %broadcast_in_dim3A_52 = vector.broadcast %jit3A : f32 to vector<2048x2048xf32>
    %select_n3A = arith.select %broadcast_in_dim3A_51, %exp3A, %broadcast_in_dim3A_52 : vector<2048x2048xi1>, vector<2048x2048xf32>
    %reduce_sum3A = arith.constant dense<0.000000e+00> : vector<2048xf32>
    %reduce_sum3A_53 = vector.multi_reduction <add>, %select_n3A, %reduce_sum3A [0] : vector<2048x2048xf32> to vector<2048xf32>
    %broadcast_in_dim3A_54 = vector.shape_cast %reduce_sum3A_53 : vector<2048xf32> to vector<1x2048xf32>
    %div3A = arith.constant 1.000000e+00 : f32
    %div3A_55 = vector.broadcast %div3A : f32 to vector<1x2048xf32>
    %div3A_56 = arith.divf %div3A_55, %broadcast_in_dim3A_54 : vector<1x2048xf32>
    %mul3A_57 = vector.broadcast %div3A_56 : vector<1x2048xf32> to vector<2048x2048xf32>
    %mul3A_58 = arith.mulf %select_n3A, %mul3A_57 : vector<2048x2048xf32>
    %jit3A_59 = arith.constant 0.000000e+00 : f32
    %broadcast_in_dim3A_60 = vector.shape_cast %gt3A_42 : vector<2048x1xi1> to vector<2048x1xi1>
    %broadcast_in_dim3A_61 = vector.broadcast %broadcast_in_dim3A_60 : vector<2048x1xi1> to vector<2048x128xi1>
    %broadcast_in_dim3A_62 = vector.broadcast %jit3A_59 : f32 to vector<2048x128xf32>
    %select_n3A_63 = arith.select %broadcast_in_dim3A_61, %add3A_31, %broadcast_in_dim3A_62 : vector<2048x128xi1>, vector<2048x128xf32>
    %dot_general3A_64 = arith.constant dense<0.000000e+00> : vector<2048x128xf32>
    %dot_general3A_65 = tpu.matmul %mul3A_58, %select_n3A_63, %dot_general3A_64 {dimension_numbers = #tpu.dot_dimension_numbers<[1], [0], [0], [1], [0, 0, 1, 1], [], []>, transpose_lhs_hint = false} : vector<2048x2048xf32>, vector<2048x128xf32>, vector<2048x128xf32> -> vector<2048x128xf32>
    %broadcast_in_dim3A_66 = vector.shape_cast %gt3A_45 : vector<2048x1xi1> to vector<2048x1xi1>
    %broadcast_in_dim3A_67 = vector.broadcast %broadcast_in_dim3A_66 : vector<2048x1xi1> to vector<2048x128xi1>
    %select_n3A_68 = arith.select %broadcast_in_dim3A_67, %dot_general3A_65, %add3A_31 : vector<2048x128xi1>, vector<2048x128xf32>
    %swap3A = arith.constant 0 : index
    %swap3A_69 = arith.constant 0 : index
    %swap3A_70 = arith.constant 0 : index
    %swap3A_71 = vector.load %arg10[%swap3A, %swap3A_69, %swap3A_70] : memref<1x2048x128xf32, #tpu.memory_space<vmem>>, vector<1x2048x128xf32>
    %swap3A_72 = vector.shape_cast %swap3A_71 : vector<1x2048x128xf32> to vector<2048x128xf32>
    %swap3A_73 = vector.shape_cast %select_n3A_68 : vector<2048x128xf32> to vector<1x2048x128xf32>
    tpu.vector_store %arg10[%swap3A, %swap3A_69, %swap3A_70], %swap3A_73 {strides = array<i32>} : memref<1x2048x128xf32, #tpu.memory_space<vmem>>, vector<1x2048x128xf32>,
    return
  }
  func.func @transform_1(%arg0: i32) -> (i32, i32, i32) {
    %c0_i32 = arith.constant 0 : i32
    %c0_i32_0 = arith.constant 0 : i32
    %c0_i32_1 = arith.constant 0 : i32
    %c0_i32_2 = arith.constant 0 : i32
    return %c0_i32, %c0_i32_0, %c0_i32_1 : i32, i32, i32
  }
  func.func @transform_2(%arg0: i32) -> (i32, i32) {
    %c0_i32 = arith.constant 0 : i32
    %c0_i32_0 = arith.constant 0 : i32
    %c0_i32_1 = arith.constant 0 : i32
    return %c0_i32, %c0_i32_0 : i32, i32
  }
  func.func @transform_3(%arg0: i32) -> (i32, i32) {
    %c0_i32 = arith.constant 0 : i32
    %c0_i32_0 = arith.constant 0 : i32
    %c0_i32_1 = arith.constant 0 : i32
    return %c0_i32, %c0_i32_0 : i32, i32
  }
  func.func @transform_4(%arg0: i32) -> (i32, i32) {
    %c0_i32 = arith.constant 0 : i32
    %c0_i32_0 = arith.constant 0 : i32
    %c0_i32_1 = arith.constant 0 : i32
    return %c0_i32, %c0_i32_0 : i32, i32
  }
  func.func @transform_5(%arg0: i32) -> (i32, i32) {
    %c0_i32 = arith.constant 0 : i32
    %c0_i32_0 = arith.constant 0 : i32
    %c0_i32_1 = arith.constant 0 : i32
    return %c0_i32, %c0_i32_0 : i32, i32
  }
  func.func @transform_6(%arg0: i32) -> (i32, i32) {
    %c0_i32 = arith.constant 0 : i32
    %c0_i32_0 = arith.constant 0 : i32
    %c0_i32_1 = arith.constant 0 : i32
    return %c0_i32, %c0_i32_0 : i32, i32
  }
  func.func @transform_7(%arg0: i32) -> (i32, i32) {
    %c0_i32 = arith.constant 0 : i32
    %c0_i32_0 = arith.constant 0 : i32
    %c0_i32_1 = arith.constant 0 : i32
    return %c0_i32, %c0_i32_0 : i32, i32
  }
  func.func @transform_8(%arg0: i32) -> (i32, i32) {
    %c0_i32 = arith.constant 0 : i32
    %c0_i32_0 = arith.constant 0 : i32
    %c0_i32_1 = arith.constant 0 : i32
    return %c0_i32, %c0_i32_0 : i32, i32
  }
  func.func @transform_9(%arg0: i32) -> (i32, i32, i32) {
    %c0_i32 = arith.constant 0 : i32
    %c0_i32_0 = arith.constant 0 : i32
    %c0_i32_1 = arith.constant 0 : i32
    %c0_i32_2 = arith.constant 0 : i32
    return %c0_i32, %c0_i32_0, %c0_i32_1 : i32, i32, i32
  }
}

module attributes {stable_mosaic.version = 14 : i64} {
  func.func @_vproj_body(%arg0: memref<1x10000x128xf32, #tpu.memory_space<vmem>>, %arg1: memref<128x128xf32, #tpu.memory_space<vmem>>, %arg2: memref<1x128xf32, #tpu.memory_space<vmem>>, %arg3: memref<1x10000x128xf32, #tpu.memory_space<vmem>>) attributes {dimension_semantics = [], scalar_prefetch = 0 : i64, scratch_operands = 0 : i64, tpu.core_type = #tpu.core_type<tc>} {
    %get3A = arith.constant 0 : index
    %get3A_0 = arith.constant 0 : index
    %get3A_1 = arith.constant 0 : index
    %get3A_2 = vector.load %arg0[%get3A, %get3A_0, %get3A_1] : memref<1x10000x128xf32, #tpu.memory_space<vmem>>, vector<1x10000x128xf32>
    %get3A_3 = vector.shape_cast %get3A_2 : vector<1x10000x128xf32> to vector<10000x128xf32>
    %get3A_4 = arith.constant 0 : index
    %get3A_5 = arith.constant 0 : index
    %get3A_6 = vector.load %arg1[%get3A_4, %get3A_5] : memref<128x128xf32, #tpu.memory_space<vmem>>, vector<128x128xf32>
    %dot_general3A = arith.constant dense<0.000000e+00> : vector<10000x128xf32>
    %dot_general3A_7 = tpu.matmul %get3A_3, %get3A_6, %dot_general3A {dimension_numbers = #tpu.dot_dimension_numbers<[1], [1], [0], [0], [0, 0, 1, 0], [], []>, transpose_lhs_hint = false} : vector<10000x128xf32>, vector<128x128xf32>, vector<10000x128xf32> -> vector<10000x128xf32>
    %get3A_8 = arith.constant 0 : index
    %get3A_9 = arith.constant 0 : index
    %get3A_10 = vector.load %arg2[%get3A_8, %get3A_9] : memref<1x128xf32, #tpu.memory_space<vmem>>, vector<1x128xf32>
    %add3A = vector.broadcast %get3A_10 : vector<1x128xf32> to vector<10000x128xf32>
    %add3A_11 = arith.addf %dot_general3A_7, %add3A : vector<10000x128xf32>
    %swap3A = arith.constant 0 : index
    %swap3A_12 = arith.constant 0 : index
    %swap3A_13 = arith.constant 0 : index
    %swap3A_14 = vector.load %arg3[%swap3A, %swap3A_12, %swap3A_13] : memref<1x10000x128xf32, #tpu.memory_space<vmem>>, vector<1x10000x128xf32>
    %swap3A_15 = vector.shape_cast %swap3A_14 : vector<1x10000x128xf32> to vector<10000x128xf32>
    %swap3A_16 = vector.shape_cast %add3A_11 : vector<10000x128xf32> to vector<1x10000x128xf32>
    tpu.vector_store %arg3[%swap3A, %swap3A_12, %swap3A_13], %swap3A_16 {strides = array<i32>} : memref<1x10000x128xf32, #tpu.memory_space<vmem>>, vector<1x10000x128xf32>,
    return
  }
}

</mosaic_0001>

<sc_bundles>
// kernel: kernel.5.cloned.1.call-start
scs
__scs_entry_jumppad:
0x0: {  	(pc) =	sbr.rel $0x88, $3  }
0x1: {  	(tag) =	ssettag $0x0;
	lr =	simm.s32 $0x1  }
0x2: {  	[smem:$0x3F98] =	sst lr;
	_ =	strace $0xD0000000  }
0x3: {  	_ = 	snop  }
0x4: {  	_ = 	snop  }
0x5: {  	_ = 	snop  }
0x6: {  	_ = 	snop  }
0x7: {  	_ = 	snop  }
__scs_overlays_trampoline_lowered:
0x8: {  	[smem:$0x3FA7] =	sst s0  }
0x9: {  	[smem:$0x3FA8] =	sst s1  }
0xa: {  	[smem:$0x3FA9] =	sst s2  }
0xb: {  	[smem:$0x3FAA] =	sst s3  }
0xc: {  	[smem:$0x3FAB] =	sst s4  }
0xd: {  	[smem:$0x3FAC] =	sst s5  }
0xe: {  	[smem:$0x3FAD] =	sst s6  }
0xf: {  	[smem:$0x3FAE] =	sst s7  }
0x10: {  	[smem:$0x3FAF] =	sst s8  }
0x11: {  	[smem:$0x3FB0] =	sst s9;
	s0 =	simm.s32 @!p0 $0x0  }
0x12: {  	s1 =	sld [smem:$0x3F96];
	s0 =	simm.s32 @p0 $0x1  }
0x13: {  	[smem:$0x3FB1] =	sst s0;
	s0 =	simm.s32 @!p1 $0x0  }
0x14: {  	s2 =	sld [smem:$0x3F95];
	s0 =	simm.s32 @p1 $0x1  }
0x15: {  	[smem:$0x3FB2] =	sst s0;
	s0 =	simm.s32 @!p2 $0x0  }
0x16: {  	s3 =	sld [smem:$0x3FDB];
	s0 =	simm.s32 @p2 $0x1  }
0x17: {  	s4 =	simm.s32 $0x1BF5;
	[smem:$0x3FB4] =	sst s0  }
0x18: {  	s0 =	sld [smem:$0x3F97];
	_ =	swait.ge [sflag:s4], $0x0  }
0x19: {  	s7 =	sld [smem:$0x3F98]  }
0x1a: {  	s8 =	sadd.s32 $0xFFFFE003, lr  }
0x1b: {  	s9 =	sadd.s32 $0xFFFFFEF7, lr;
	s5 =	simm.s32 $0xFFFFFFFF;
	p2 =	slt.u32 s8, $0xFFFFF086  }
0x1c: {  	p1 =	slt.u32 s9, $0xF7A;
	s5 =	simm.s32 @!p2 $0x0  }
0x1d: {  	s5 =	simm.s32 @p1 $0x1;
	p0 =	seq.s32 s7, s2  }
0x1e: {  	s7 =	smul.u32 @!p0 $0xF7A, s2;
	p2 =	seq.s32 @!p0 s5, $0x0  }
0x1f: {  	s9 =	smul.u32 $0xF7A, s1;
	s8 =	simm.s32 @!p0 $0x1BF5;
	p2 =	por !p2, p0  }
0x20: {  	[sflag:s8] =	ssyncset.s32 @!p0 $0xFFFFF086;
	s6 =	sadd.s32 @!p0 s3, s7;
	s7 =	simm.s32 @!p0 $0x108  }
0x21: {  	s3 =	sadd.s32 s3, s9;
	s6 =	sadd.s32 @!p0 $0x88, s6;
	s7 =	simm.s32 @p2 $0x1082  }
0x22: {  	[simem:s7], [sflag:s8] =	dma.local @!p0 [hbm:s6], $0xF7A  }
0x23: {  	s9 =	sor.u32 $0xD0000000, s2;
	s6 =	simm.s32 $0x108;
	_ =	swait.ge @!p0 [sflag:s8], $0x0  }
0x24: {  	s3 =	sadd.s32 $0x88, s3;
	s6 =	simm.s32 @!p1 $0x1082;
	[sflag:s4] =	ssyncset.s32 $0xFFFFF086  }
0x25: {  	[simem:s6], [sflag:s4] =	dma.local [hbm:s3], $0xF7A  }
0x26: {  	[smem:$0x3F98] =	sst s1;
	(tag) =	ssettag s2;
	_ =	strace s9  }
0x27: {  	s1 =	sld [smem:$0x3FA8]  }
0x28: {  	s2 =	sld [smem:$0x3FA9]  }
0x29: {  	s4 =	sld [smem:$0x3FAB]  }
0x2a: {  	p0 =	seq.s32 s5, $0x0;
	s5 =	sld [smem:$0x3FAC]  }
0x2b: {  	s6 =	sld [smem:$0x3FAD]  }
0x2c: {  	s7 =	sld [smem:$0x3FAE]  }
0x2d: {  	s3 =	simm.s32 $0x108;
	s8 =	sld [smem:$0x3FAF]  }
0x2e: {  	s3 =	simm.s32 @!p0 $0x1082;
	s9 =	sld [smem:$0x3FB0]  }
0x2f: {  	lr =	sadd.s32 s0, s3;
	s0 =	sld [smem:$0x3FA7]  }
0x30: {  	s3 =	sld [smem:$0x3FAA]  }
0x31: {  	[smem:$0x3FB3] =	sst s10  }
0x32: {  	s10 =	sld [smem:$0x3FB1];
	_ =	sdelay $0x3  }
0x33: {  	p0 =	seq.s32 s10, $0x1;
	s10 =	sld [smem:$0x3FB3];
	_ =	sdelay $0x3  }
0x34: {  	[smem:$0x3FB3] =	sst s10  }
0x35: {  	s10 =	sld [smem:$0x3FB2];
	_ =	sdelay $0x3  }
0x36: {  	p1 =	seq.s32 s10, $0x1;
	s10 =	sld [smem:$0x3FB3];
	_ =	sdelay $0x3  }
0x37: {  	[smem:$0x3FB3] =	sst s10  }
0x38: {  	s10 =	sld [smem:$0x3FB4]  }
0x39: {  	_ = 	snop;
	(pc) =	sbr.ind lr, $3  }
0x3a: {  	_ = 	snop  }
0x3b: {  	_ = 	snop  }
0x3c: {  	p2 =	seq.s32 s10, $0x1;
	s10 =	sld [smem:$0x3FB3]  }
0x3d: {  	_ =	shalt  }
0x3e: {  	_ =	shalt  }
0x3f: {  	_ =	shalt  }
0x40: {  	_ =	shalt  }
0x41: {  	_ =	shalt  }
0x42: {  	_ =	shalt  }
0x43: {  	_ =	shalt  }
0x44: {  	_ =	shalt  }
0x45: {  	_ =	shalt  }
0x46: {  	_ =	shalt  }
0x47: {  	_ =	shalt  }
0x48: {  	_ =	shalt  }
0x49: {  	_ =	shalt  }
0x4a: {  	_ =	shalt  }
0x4b: {  	_ =	shalt  }
0x4c: {  	_ =	shalt  }
0x4d: {  	_ =	shalt  }
0x4e: {  	_ =	shalt  }
0x4f: {  	_ =	shalt  }
0x50: {  	_ =	shalt  }
0x51: {  	_ =	shalt  }
0x52: {  	_ =	shalt  }
0x53: {  	_ =	shalt  }
0x54: {  	_ =	shalt  }
0x55: {  	_ =	shalt  }
0x56: {  	_ =	shalt  }
0x57: {  	_ =	shalt  }
0x58: {  	_ =	shalt  }
0x59: {  	_ =	shalt  }
0x5a: {  	_ =	shalt  }
0x5b: {  	_ =	shalt  }
0x5c: {  	_ =	shalt  }
0x5d: {  	_ =	shalt  }
0x5e: {  	_ =	shalt  }
0x5f: {  	_ =	shalt  }
0x60: {  	_ =	shalt  }
0x61: {  	_ =	shalt  }
0x62: {  	_ =	shalt  }
0x63: {  	_ =	shalt  }
0x64: {  	_ =	shalt  }
0x65: {  	_ =	shalt  }
0x66: {  	_ =	shalt  }
0x67: {  	_ =	shalt  }
0x68: {  	_ =	shalt  }
0x69: {  	_ =	shalt  }
0x6a: {  	_ =	shalt  }
0x6b: {  	_ =	shalt  }
0x6c: {  	_ =	shalt  }
0x6d: {  	_ =	shalt  }
0x6e: {  	_ =	shalt  }
0x6f: {  	_ =	shalt  }
0x70: {  	_ =	shalt  }
0x71: {  	_ =	shalt  }
0x72: {  	_ =	shalt  }
0x73: {  	_ =	shalt  }
0x74: {  	_ =	shalt  }
0x75: {  	_ =	shalt  }
0x76: {  	_ =	shalt  }
0x77: {  	_ =	shalt  }
0x78: {  	_ =	shalt  }
0x79: {  	_ =	shalt  }
0x7a: {  	_ =	shalt  }
0x7b: {  	_ =	shalt  }
0x7c: {  	_ =	shalt  }
0x7d: {  	_ =	shalt  }
0x7e: {  	_ =	shalt  }
0x7f: {  	_ =	shalt  }
0x80: {  	_ =	shalt  }
0x81: {  	_ =	shalt  }
0x82: {  	_ =	shalt  }
0x83: {  	_ =	shalt  }
0x84: {  	_ =	shalt  }
0x85: {  	_ =	shalt  }
0x86: {  	_ =	shalt  }
0x87: {  	_ =	shalt  }
.Lfunc_end0:
.L_simem_size_0:
called_computation_lowered:
.L_overlay_start_0:
0x88: {  	s2 =	sld [smem:$0x3FD9]  }
0x89: {  	s3 =	sld [smem:$0x3FFE];
	_ =	sdelay $0x1  }
0x8a: {  	s1 =	srdreg.scid  }
0x8b: {  	s0 =	sand.u32 $0x1, s1  }
0x8c: {  	s16 =	sshll.u32 s0, $0xA;
	s2 =	sadd.s32 s3, s2  }
0x8d: {  	s2 =	sadd.s32 s2, s16  }
0x8e: {  	[smem:$0x3FBF] =	sst s2  }
0x8f: {  	_ = 	snop  }
0x90: {  	(tm) =	ssettm $0x1  }
0x91: {  	s17 =	sld [smem:$0x3FFB];
	_ =	sdelay $0x3  }
0x92: {  	_ =	strace s17  }
0x93: {  	s2 =	sld [smem:$0x3FFC];
	_ =	sdelay $0x3  }
0x94: {  	_ =	strace s2  }
0x95: {  	s2 =	sld [smem:$0x3FFD];
	_ =	sdelay $0x3  }
0x96: {  	_ =	strace s2  }
0x97: {  	_ =	strace $0x8FFFFFFF  }
0x98: {  	s18 =	sld [smem:$0x3FDB];
	_ =	sdelay $0x1  }
0x99: {  	s19 =	simm.s32 $_scs_section_size  }
0x9a: {  	s4 =	simm.s32 $_size__tile_overlayer_lowered;
	s5 =	simm.s32 $_tile_overlayer_lowered  }
0x9b: {  	s22 =	simm.s32 $0x1BFF;
	s21 =	sshll.u32 s5, $0x1;
	s2 =	sadd.s32 s19, s18  }
0x9c: {  	s6 =	simm.s32 $0x0;
	s20 =	sshll.u32 s4, $0x1;
	s4 =	sadd.s32 s21, s2  }
0x9d: {  	[timem:s6], [sflag:s22] =	dma.local [hbm:s4], s20  }
0x9e: {  	_ =	swait.ge [sflag:s22], s20  }
0x9f: {  	s3 =	ssub.s32 $0x0, s20;
	[sflag:s22] =	ssyncset.done $0x0  }
0xa0: {  	[sflag:s22] =	ssyncadd.s32 s3;
	_ =	sdelay $0x1  }
0xa1: {  	s23 =	simm.s32 $0x1B8B  }
0xa2: {  	_ =	swait.ge [sflag:s23], $0x1  }
0xa3: {  	[sflag:s23] =	ssyncset.done $0x0  }
0xa4: {  	s25 =	simm.s32 $0x1B8E;
	s24 =	sld [smem:$0x3FFE];
	[sflag:s23] =	ssyncadd.s32 $0xFFFFFFFF  }
0xa5: {  	s26 =	simm.s32 $execute0_lowered;
	[smem:$0x3FD2] =	sst s25  }
0xa6: {  	s4 =	sshll.u32 s26, $0x1;
	_ =	strace $0x80000046;
	[dreg:$0x1] =	wrdreg $0xFFFFFFFF  }
0xa7: {  	s28 =	simm.s32 $_size_execute0_lowered;
	s2 =	sadd.s32 s2, s4;
	[dreg:$0x0] =	wrdreg $0x0  }
0xa8: {  	s4 =	sshll.u32 s28, $0x1;
	[dreg:$0x2] =	wrdreg s2  }
0xa9: {  	[dreg:$0x3] =	wrdreg s4  }
0xaa: {  	[dreg:$0x4] =	wrdreg $0xC0  }
0xab: {  	_ =	task [dreg:s6], $0x5FFFF  }
0xac: {  	[dreg:$0x1] =	wrdreg $0xFFFFFFFF  }
0xad: {  	[dreg:$0x0] =	wrdreg $0x60  }
0xae: {  	[dreg:$0x2] =	wrdreg s24  }
0xaf: {  	[dreg:$0x3] =	wrdreg $0x9  }
0xb0: {  	_ =	task.clear_ibuf [dreg:s6], $0x4FFFF;
	_ =	strace $0x90000046  }
0xb1: {  	s29 =	simm.s32 $0x9;
	_ =	strace $0x80000048  }
0xb2: {  	_ =	swait.ge [sflag:s29], $0x1  }
0xb3: {  	[sflag:s29] =	ssyncadd.s32 $0xFFFFFFFF  }
0xb4: {  	_ =	strace $0x90000048  }
0xb5: {  	_ =	sfence  }
0xb6: {  	s30 =	sld [smem:$0x0];
	_ =	sdelay $0x2  }
0xb7: {  	s31 =	sshll.u32 s1, $0xD;
	s1 =	sshrl.u32 s1, $0x2  }
0xb8: {  	s3 =	sand.u32 $0x4000, s31;
	s1 =	sadd.s32 s1, s30  }
0xb9: {  	s0 =	sor.u32 s3, s0;
	s1 =	sshll.u32 s1, $0x11  }
0xba: {  	s0 =	sor.u32 s1, s0  }
0xbb: {  	s0 =	sadd.s32 $0x8F2B, s0  }
0xbc: {  	[sflag:s0] =	ssyncadd.remote.s32 $0x1  }
0xbd: {  	_ =	sfence.sel $0xFFFF  }
0xbe: {  	[dreg:$0x0] =	wrdreg $0xFFFFFFFF;
	(pc) =	sbr.abs _section_cstart, $3  }
0xbf: {  	[dreg:$0x1] =	wrdreg $0xFFFFFFFF  }
0xc0: {  	_ =	task.clear_ibuf [dreg:s6], $0x2FFFF;
	_ =	strace $0x9FFFFFFF  }
0xc1: {  	(tm) =	ssettm $0x7FFFFFFF  }
tec
execute0_lowered:
.L_overlay_start_1:
0x0: {  	(tag) =	ssettag $0x1  }
0x1: {  	s5 =	rddreg [dreg:$0x0]  }
0x2: {  	s0 =	rddreg [dreg:$0x1];
	s2 =	simm.s32 $0x0  }
0x3: {  	s1 =	stileid.u32;
	s3 =	srdreg.scid;
	s9 =	simm.s32 $0x80  }
0x4: {  	s10 =	simm.s32 $0x0;
	[smem:$0x7FF] =	sst s2;
	s4 =	sshll.u32 s1, $0x9  }
0x5: {  	s3 =	sand.u32 $0x1, s3;
	s7 =	sshll.u32 s1, $0x1;
	p0 =	slt.u32 s1, $0x8  }
0x6: {  	_ =	strace $0x80000047;
	s4 =	sand.u32 $0x1800, s4;
	s6 =	ssub.s32 $0x2, s3  }
0x7: {  	s3 =	sor.u32 s3, s7;
	s4 =	sadd.s32 s4, s5;
	s8 =	sshrl.u32 s6, $0x1  }
0x8: {  	s7 =	sand.u32 $0xF, s3;
	s3 =	sshll.u32 s3, $0x4;
	s6 =	ssub.s32 s6, s8  }
0x9: {  	s3 =	sand.u32 $0x70, s3;
	s8 =	simm.s32 $0x400;
	s7 =	smul.u32 $0x9C4, s7  }
0xa: {  	s3 =	sadd.s32 s3, s4;
	s8 =	simm.s32 @!p0 $0xA200;
	s4 =	smax.u32 s6, $0x1  }
0xb: {  	s3 =	sadd.s32 $0x14000, s3;
	s31 =	sadd.s32 s8, s5;
	s5 =	simm.s32 $0x400  }
0xc: {  	v0 =	vimm.f32 $0.0e+00;
	v1 =	vimm.f32 $1.000000000e+00;
	s8 =	simm.s32 $0x4E80;
	s6 =	sadd.s32 s31, s7;
	s7 =	simm.s32 $0x1  }
.LBB2_1:
0xd: {  	s11 =	simm.s32 $0x4EA0  }
0xe: {  	[tilespmem:s11+$0xFFFFFFE0] =	vst v0  }
0xf: {  	[tilespmem:s11+$0x10] =	vst v0  }
0x10: {  	s12 =	simm.s32 $0x0;
	[tilespmem:s11+$0x0] =	vst v0  }
.LBB2_2:
0x11: {  	s12 =	sadd.s32 $0x40, s12  }
0x12: {  	[tilespmem:s11+$0xFFFFFFF0] =	vst v0;
	s11 =	sadd.s32 $0x40, s11;
	p0 =	slt.u32 s12, $0x7C0  }
.Ltmp0:
0x13: {  	[tilespmem:s11+$0xFFFFFFE0] =	vst v0;
	(pc) =	sbr.rel @p0 .LBB2_2-.Ltmp0, $3  }
0x14: {  	_ =	sdelay $0x1  }
0x15: {  	[tilespmem:s11+$0x10] =	vst v0  }
0x16: {  	[tilespmem:s11+$0x0] =	vst v0  }
0x17: {  	[tilespmem:s11+$0xFFFFFFF0] =	vst v0  }
0x18: {  	[tilespmem:s2], [sflag:$0x1] =	stream.linear.gather [hbm4b:s6+s2], $0x4E20, $0x38;
	[tilespmem:$0x5680] =	vst v63  }
0x19: {  	_ =	swait.ge [sflag:s7], $0x4E20  }
0x1a: {  	[sflag:s7] =	ssyncset.done $0x0  }
0x1b: {  	s31 =	simm.s32 $0x40;
	[sflag:s7] =	ssyncadd.s32 $0xFFFFB1E0  }
0x1c: {  	v2 =	vld [tilespmem:s31+$0x30]  }
0x1d: {  	v3 =	vld [tilespmem:s31+$0xFFFFFFD0]  }
0x1e: {  	v4 =	vld [tilespmem:s31+$0xFFFFFFE0]  }
0x1f: {  	v5 =	vld [tilespmem:s31+$0xFFFFFFF0]  }
0x20: {  	v6 =	vld [tilespmem:s31+$0x0]  }
0x21: {  	v7 =	vld [tilespmem:s31+$0x10]  }
0x22: {  	v8 =	vld [tilespmem:s31+$0x20]  }
0x23: {  	s13 =	simm.s32 $0x0;
	s14 =	simm.s32 $0xC0;
	v9 =	vld [tilespmem:s31+$0xFFFFFFC0]  }
.LBB2_4:
0x24: {  	s13 =	sadd.s32 $0x80, s13;
	[tilespmem:v2+s8+$0x0] =	vst.idx.msk $0xffff, v1;
	v2 =	vld [tilespmem:s14+$0x30];
	s11 =	simm.s32 $0x4DF0;
	s12 =	simm.s32 $0x4E00  }
0x25: {  	p0 =	slt.u32 s13, $0x4D80;
	[tilespmem:v3+s8+$0x0] =	vst.idx.msk $0xffff, v1;
	v3 =	vld [tilespmem:s14+$0xFFFFFFD0]  }
0x26: {  	[tilespmem:v4+s8+$0x0] =	vst.idx.msk $0xffff, v1;
	v4 =	vld [tilespmem:s14+$0xFFFFFFE0]  }
.Ltmp1:
0x27: {  	[tilespmem:v5+s8+$0x0] =	vst.idx.msk $0xffff, v1;
	v5 =	vld [tilespmem:s14+$0xFFFFFFF0];
	(pc) =	sbr.rel @p0 .LBB2_4-.Ltmp1, $4  }
0x28: {  	[tilespmem:v6+s8+$0x0] =	vst.idx.msk $0xffff, v1;
	v6 =	vld [tilespmem:s14+$0x0]  }
0x29: {  	[tilespmem:v7+s8+$0x0] =	vst.idx.msk $0xffff, v1;
	v7 =	vld [tilespmem:s14+$0x10]  }
0x2a: {  	[tilespmem:v8+s8+$0x0] =	vst.idx.msk $0xffff, v1;
	v8 =	vld [tilespmem:s14+$0x20]  }
0x2b: {  	[tilespmem:v9+s8+$0x0] =	vst.idx.msk $0xffff, v1;
	v9 =	vld [tilespmem:s14+$0xFFFFFFC0];
	s14 =	sadd.s32 $0x80, s14  }
0x2c: {  	_ =	sdelay $0x3  }
0x2d: {  	[tilespmem:v2+s8+$0x0] =	vst.idx.msk $0xffff, v1  }
0x2e: {  	[tilespmem:v3+s8+$0x0] =	vst.idx.msk $0xffff, v1  }
0x2f: {  	[tilespmem:v4+s8+$0x0] =	vst.idx.msk $0xffff, v1  }
0x30: {  	[tilespmem:v5+s8+$0x0] =	vst.idx.msk $0xffff, v1  }
0x31: {  	[tilespmem:v6+s8+$0x0] =	vst.idx.msk $0xffff, v1  }
0x32: {  	[tilespmem:v7+s8+$0x0] =	vst.idx.msk $0xffff, v1  }
0x33: {  	[tilespmem:v8+s8+$0x0] =	vst.idx.msk $0xffff, v1  }
0x34: {  	[tilespmem:v9+s8+$0x0] =	vst.idx.msk $0xffff, v1  }
.LBB2_6:
0x35: {  	v2 =	vld [tilespmem:s12+$0x0];
	_ =	sdelay $0x1  }
0x36: {  	s11 =	sadd.s32 $0x10, s11  }
0x37: {  	p0 =	slt.u32 s11, $0x4E10  }
.Ltmp2:
0x38: {  	_ = 	snop;
	(pc) =	sbr.rel @p0 .LBB2_6-.Ltmp2, $2  }
0x39: {  	_ =	sdelay $0x2  }
0x3a: {  	s12 =	sadd.s32 $0x10, s12;
	[tilespmem:v2+s8+$0x0] =	vst.idx.msk $0xffff, v1  }
0x3b: {  	s10 =	sadd.s32 $0x1, s10  }
0x3c: {  	p0 =	sne.s32 s10, s4  }
.Ltmp3:
0x3d: {  	_ = 	snop;
	(pc) =	sbr.rel @p0 .LBB2_1-.Ltmp3, $4  }
0x3e: {  	[hbm4b:s3+s9] =	stream.strided.scatter [tilespmem:s8], [sflag:$0x1], $0x800, s5, s9, $0x38;
	[tilespmem:$0x5680] =	vst v63  }
0x3f: {  	_ =	swait.ge [sflag:s7], $0x800  }
0x40: {  	[sflag:s7] =	ssyncset.done $0x0  }
0x41: {  	[sflag:s7] =	ssyncadd.s32 $0xFFFFF800  }
0x42: {  	_ =	sfence.sel $0x180000  }
0x43: {  	[bflag:$0x0] =	sbarrier.arrive $0xFFFF  }
0x44: {  	p0 =	sne.s32 s1, $0x0;
	_ =	strace $0x90000047  }
0x45: {  	s0 =	sadd.s32 @!p0 $0x100000, s0;
	[bflag:$0x2] =	sbarrier.arrive $0xFFFF  }
0x46: {  	[sflag:s0] =	ssyncadd.tile.s32 @!p0 $0x1;
	_ =	shalt  }
.Lfunc_end2:
_tile_overlayer_lowered:
.L_overlay_start_2:
0x47: {  	(tag) =	ssettag $0x2  }
0x48: {  	s0 =	rddreg [dreg:$0x0];
	s2 =	stileid.u32  }
0x49: {  	s1 =	rddreg [dreg:$0x1];
	p0 =	sne.s32 s2, $0x0  }
0x4a: {  	s3 =	rddreg [dreg:$0x2];
	[bflag:$0x3] =	sbarrier.arrive $0xFFFF;
	s2 =	simm.s32 @!p0 $0x1C01  }
0x4b: {  	[timem:s3], [sflag:s2] =	dma.local @!p0 [hbm:s0], s1  }
0x4c: {  	s0 =	simm.s32 @!p0 $0x1  }
0x4d: {  	_ =	swait.ge @!p0 [sflag:s0], s1  }
0x4e: {  	s1 =	ssub.s32 @!p0 $0x0, s1;
	[sflag:s0] =	ssyncset.done @!p0 $0x0  }
0x4f: {  	[sflag:s0] =	ssyncadd.s32 @!p0 s1  }
0x50: {  	[bflag:$0x3] =	sbarrier.arrive $0xFFFF  }
0x51: {  	_ =	shalt  }

</sc_bundles>
